<compile_context>
chip_gen: v7x
topology: tpu7x:2x2x1
jax: 0.10.2.dev20260603
libtpu: 0.0.44.dev20260713+nightly
codegen_flags: <defaults>
</compile_context>

<pallas_src>
import functools

import jax
import jax.numpy as jnp
from jax import lax
from jax.experimental import pallas as pl
from jax.experimental.pallas import tpu as pltpu
from jax.experimental.pallas import tpu_sc as plsc

N = 10000
E = 320000
D = 128
DE = 16
G = 64
P = 32
CH = 128
NCHUNK = E // CH
NC = 2
NS = 16
NW = NC * NS
NROW = 10240
RPS = NROW // NS
MAXCH_W = (NCHUNK + NW - 1) // NW

_ILV = [i // 2 if i % 2 == 0 else 16 + i // 2 for i in range(P)]


def _nproj_body(na_ref, w_ref, o_ref):
    o_ref[...] = jnp.dot(na_ref[...], w_ref[...],
                         preferred_element_type=jnp.float32
                         ).astype(jnp.bfloat16)


def _eproj_body(ea_ref, w_ref, b_ref, o_ref):
    o_ref[...] = jnp.dot(ea_ref[...], w_ref[...],
                         preferred_element_type=jnp.float32) + b_ref[...]


def _tc_prologue(node_attr, edge_attr, Wn, We, bm):
    nproj = pl.pallas_call(
        _nproj_body,
        out_shape=jax.ShapeDtypeStruct((N, P), jnp.bfloat16),
    )(node_attr, Wn)

    EB = E // 32
    eproj = pl.pallas_call(
        _eproj_body,
        grid=(32,),
        in_specs=[
            pl.BlockSpec((EB, DE), lambda i: (i, 0)),
            pl.BlockSpec((DE, P), lambda i: (0, 0)),
            pl.BlockSpec((1, P), lambda i: (0, 0)),
        ],
        out_specs=pl.BlockSpec((EB, P), lambda i: (i, 0)),
        out_shape=jax.ShapeDtypeStruct((E, P), jnp.float32),
    )(edge_attr, We, bm)
    return nproj, eproj


def _sc_edge_pass(src_idx, dst_idx, nproj, eproj):
    mesh = plsc.VectorSubcoreMesh(
        core_axis_name="c", subcore_axis_name="s",
        num_cores=NC, num_subcores=NS)

    @functools.partial(
        pl.kernel,
        out_type=jax.ShapeDtypeStruct((NC, NROW, P), jnp.float32),
        mesh=mesh,
        compiler_params=pltpu.CompilerParams(
            needs_layout_passes=False, use_tc_tiling_on_sc=False),
        scratch_types=[
            pltpu.VMEM((CH,), jnp.int32),
            pltpu.VMEM((CH,), jnp.int32),
            pltpu.VMEM((CH, P // 2), jnp.int32),
            pltpu.VMEM((CH, P), jnp.float32),
            pltpu.VMEM((RPS, P), jnp.float32),
            pltpu.VMEM_SHARED((NROW, P), jnp.float32),
            pltpu.SemaphoreType.DMA,
        ],
    )
    def k(src_hbm, dst_hbm, nproj_hbm, eproj_hbm, out_hbm,
          src_v, dst_v, gath_v, ep_v, buf_v, acc_sh, sem):
        c = lax.axis_index("c")
        s = lax.axis_index("s")
        w = s * NC + c

        z = jnp.zeros((16,), jnp.float32)

        def zrow(r, carry):
            buf_v[r, pl.ds(0, 16)] = z
            buf_v[r, pl.ds(16, 16)] = z
            return carry

        lax.fori_loop(0, RPS, zrow, 0)
        r0 = s * RPS
        pltpu.sync_copy(buf_v, acc_sh.at[pl.ds(r0, RPS)])
        plsc.subcore_barrier()

        def chunk(j, carry):
            cidx = j * NW + w

            @pl.when(cidx < NCHUNK)
            def _():
                base = cidx * CH
                pltpu.sync_copy(src_hbm.at[pl.ds(base, CH)], src_v)
                pltpu.sync_copy(dst_hbm.at[pl.ds(base, CH)], dst_v)
                pltpu.sync_copy(eproj_hbm.at[pl.ds(base, CH)], ep_v)
                pltpu.async_copy(nproj_hbm.at[src_v], gath_v, sem).wait()

                def ebody(e, cc):
                    g = plsc.bitcast(gath_v[e, :], jnp.bfloat16)
                    a, b = plsc.unpack(g, format=plsc.PackFormat.INTERLEAVED,
                                       preferred_element_type=jnp.float32)
                    p0 = ep_v[e, pl.ds(0, 16)]
                    p1 = ep_v[e, pl.ds(16, 16)]
                    ep_v[e, pl.ds(0, 16)] = jnp.maximum(a + p0, 0.0)
                    ep_v[e, pl.ds(16, 16)] = jnp.maximum(b + p1, 0.0)
                    return cc

                lax.fori_loop(0, CH, ebody, 0)
                pltpu.sync_copy(ep_v, acc_sh.at[dst_v], add=True)

            return carry

        lax.fori_loop(0, MAXCH_W, chunk, 0)

        plsc.subcore_barrier()
        pltpu.sync_copy(acc_sh.at[pl.ds(r0, RPS)], buf_v)
        pltpu.sync_copy(buf_v, out_hbm.at[c, pl.ds(r0, RPS)])

    return k(src_idx, dst_idx, nproj, eproj)


def _post_body(acc_ref, batch_ref, w1_ref, b1_ref, w2_ref, b2_ref,
               w3_ref, b3_ref, w4_ref, b4_ref, o_ref):
    x = acc_ref[0] + acc_ref[1]
    h1 = jnp.maximum(
        jnp.dot(x, w1_ref[...], preferred_element_type=jnp.float32)
        + b1_ref[...], 0.0)
    h2 = jnp.maximum(
        jnp.dot(h1, w2_ref[...], preferred_element_type=jnp.float32)
        + b2_ref[...], 0.0)
    oh = (batch_ref[...] == lax.broadcasted_iota(jnp.int32, (NROW, G), 1)
          ).astype(jnp.float32)
    pooled = lax.dot_general(oh, h2, (((0,), (0,)), ((), ())),
                             preferred_element_type=jnp.float32)
    g3 = jnp.maximum(
        jnp.dot(pooled, w3_ref[...], preferred_element_type=jnp.float32)
        + b3_ref[...], 0.0)
    o_ref[...] = jnp.dot(g3, w4_ref[...],
                         preferred_element_type=jnp.float32) + b4_ref[...]


def _tc_epilogue(acc2, batch2d, W1p, b1p, W2p, b2p, W3p, b3p, W4p, b4p):
    return pl.pallas_call(
        _post_body,
        out_shape=jax.ShapeDtypeStruct((G, 8), jnp.float32),
    )(acc2, batch2d, W1p, b1p, W2p, b2p, W3p, b3p, W4p, b4p)


def kernel(edge_index, node_attr, edge_attr, batch,
           W_mpl, b_mpl, W1, b1, W2, b2, W3, b3, W4, b4):
    Wn = jnp.pad(W_mpl[:D], ((0, 0), (0, P - 20)))[:, jnp.array(_ILV)]
    We = jnp.pad(W_mpl[D:], ((0, 0), (0, P - 20)))
    bm = jnp.pad(b_mpl, (0, P - 20)).reshape(1, P)
    W1p = jnp.pad(W1, ((0, 12), (0, 12)))
    b1p = jnp.pad(b1, (0, 12)).reshape(1, 32)
    W2p = jnp.pad(W2, ((0, 12), (0, 6)))
    b2p = jnp.pad(b2, (0, 6)).reshape(1, 16)
    W3p = jnp.pad(W3, ((0, 6), (0, 6)))
    b3p = jnp.pad(b3, (0, 6)).reshape(1, 16)
    W4p = jnp.pad(W4, ((0, 6), (0, 7)))
    b4p = jnp.pad(b4, (0, 7)).reshape(1, 8)

    nproj, eproj = _tc_prologue(node_attr, edge_attr, Wn, We, bm)
    nproj = lax.bitcast_convert_type(nproj.reshape(N, P // 2, 2), jnp.int32)
    nproj = jnp.pad(nproj, ((0, NROW - N), (0, 0)))
    acc2 = _sc_edge_pass(edge_index[0], edge_index[1], nproj, eproj)
    batch_pad = jnp.pad(batch, (0, NROW - N), constant_values=G).reshape(NROW, 1)
    out = _tc_epilogue(acc2, batch_pad,
                       W1p, b1p, W2p, b2p, W3p, b3p, W4p, b4p)
    return out[:, :1]

# --- scband reference (transcript-rebuilt; emitter-appended) ---
"""Pipeline reference for scband-model9-64630667870278 (READ-ONLY COPY).

The authoritative reference and input builder live on the scoring server;
editing this copy changes nothing except your own understanding.
"""

import jax, jax.numpy as jnp
import numpy as np

N = 10000
E = 320000
D = 128
DE = 16
G = 64

def setup_inputs(seed: int = 0) -> dict:
    key = jax.random.key(seed)
    ks = jax.random.split(key, 14)
    node_attr = jax.random.normal(ks[0], (N, D), dtype=jnp.float32)
    edge_attr = jax.random.normal(ks[1], (E, DE), dtype=jnp.float32)
    edge_index = jax.random.randint(ks[2], (2, E), 0, N, dtype=jnp.int32)
    batch = jnp.sort(jax.random.randint(ks[3], (N,), 0, G, dtype=jnp.int32))
    W_mpl = jax.random.normal(ks[4], (D + DE, 20), dtype=jnp.float32) * 0.05
    b_mpl = jnp.zeros((20,), dtype=jnp.float32)
    W1 = jax.random.normal(ks[5], (20, 20), dtype=jnp.float32) * 0.2
    b1 = jnp.zeros((20,), dtype=jnp.float32)
    W2 = jax.random.normal(ks[6], (20, 10), dtype=jnp.float32) * 0.2
    b2 = jnp.zeros((10,), dtype=jnp.float32)
    W3 = jax.random.normal(ks[7], (10, 10), dtype=jnp.float32) * 0.3
    b3 = jnp.zeros((10,), dtype=jnp.float32)
    W4 = jax.random.normal(ks[8], (10, 1), dtype=jnp.float32) * 0.3
    b4 = jnp.zeros((1,), dtype=jnp.float32)
    return {"edge_index": edge_index, "node_attr": node_attr, "edge_attr": edge_attr,
            "batch": batch, "W_mpl": W_mpl, "b_mpl": b_mpl, "W1": W1, "b1": b1,
            "W2": W2, "b2": b2, "W3": W3, "b3": b3, "W4": W4, "b4": b4}

def reference(edge_index, node_attr, edge_attr, batch, W_mpl, b_mpl, W1, b1, W2, b2, W3, b3, W4, b4):
    src = edge_index[0]
    dst = edge_index[1]
    # MPL_1: edge-conditioned message passing
    # message = ReLU(Linear([x_src || edge_attr])) gathered per edge, scatter-add to dst
    x_src = jnp.take(node_attr, src, axis=0)                 # gather [E, D]
    msg_in = jnp.concatenate([x_src, edge_attr], axis=-1)    # [E, D+DE]
    msg = jax.nn.relu(msg_in @ W_mpl + b_mpl)                # [E, 20]
    x = jax.ops.segment_sum(msg, dst, num_segments=N)        # scatter-add [N, 20]
    x = jax.nn.relu(x @ W1 + b1)
    x = jax.nn.relu(x @ W2 + b2)
    # segment_coo(x, batch, reduce='sum') -> graph pooling
    x = jax.ops.segment_sum(x, batch, num_segments=G)        # [G, 10]
    x = jax.nn.relu(x @ W3 + b3)
    x = x @ W4 + b4                                          # [G, 1]
    return x

if __name__ == "__main__":
    import jax
    _d = setup_inputs()
    print(jax.jit(kernel)(*tuple(_d.values())))

</pallas_src>

<mosaic_0001>
#map = affine_map<(d0, d1) -> (0)>
#map1 = affine_map<(d0, d1) -> (0, 0)>
#map2 = affine_map<(d0, d1) -> (0, 0, 0)>
module attributes {stable_mosaic.version = 14 : i64} {
  func.func @k(%arg0: i32, %arg1: i32, %arg2: memref<320000xi32, #tpu.memory_space<hbm>>, %arg3: memref<320000xi32, #tpu.memory_space<hbm>>, %arg4: memref<10240x16xi32, #tpu.memory_space<hbm>>, %arg5: memref<320000x32xf32, #tpu.memory_space<hbm>>, %arg6: memref<2x10240x32xf32, #tpu.memory_space<hbm>>, %arg7: memref<128xi32, #tpu.memory_space<vmem>>, %arg8: memref<128xi32, #tpu.memory_space<vmem>>, %arg9: memref<128x16xi32, #tpu.memory_space<vmem>>, %arg10: memref<128x32xf32, #tpu.memory_space<vmem>>, %arg11: memref<640x32xf32, #tpu.memory_space<vmem>>, %arg12: memref<10240x32xf32, #tpu.memory_space<vmem_shared>>, %arg13: memref<!tpu.dma_semaphore, #tpu.memory_space<semaphore_mem>>) attributes {dimension_semantics = [#tpu.dimension_semantics<core_parallel>, #tpu.dimension_semantics<subcore_parallel>], iteration_bounds = array<i64: 2, 16>, scalar_prefetch = 0 : i64, scratch_operands = 7 : i64, tpu.core_type = #tpu.core_type<sc_vector_subcore>, window_params = [{transform_indices = #map}, {transform_indices = #map}, {transform_indices = #map1}, {transform_indices = #map1}, {transform_indices = #map2}]} {
    %mul3A = arith.constant 2 : i32
    %mul3A_0 = arith.muli %arg1, %mul3A : i32
    %add3A = arith.addi %mul3A_0, %arg0 : i32
    %broadcast_in_dim3A = arith.constant 0.000000e+00 : f32
    %broadcast_in_dim3A_1 = vector.broadcast %broadcast_in_dim3A : f32 to vector<16xf32>
    %scan3A = arith.constant 0 : i32
    %scan3A_2 = arith.constant 0 : i32
    %scan3A_3 = arith.constant 640 : i32
    %scan3A_4 = arith.addi %scan3A_2, %scan3A_3 : i32
    %scan3A_5 = arith.constant 1 : i32
    scf.for %scan3A_16 = %scan3A_2 to %scan3A_4 step %scan3A_5  : i32 {
      %swap3A = arith.index_cast %scan3A_16 : i32 to index
      %swap3A_17 = arith.constant 0 : index
      %swap3A_18 = tpu.vector_load %arg11[%swap3A, %swap3A_17] {strides = array<i32>} : memref<640x32xf32, #tpu.memory_space<vmem>>, vector<16xf32>,
      tpu.vector_store %arg11[%swap3A, %swap3A_17], %broadcast_in_dim3A_1 {strides = array<i32>} : memref<640x32xf32, #tpu.memory_space<vmem>>, vector<16xf32>,
      %swap3A_19 = arith.index_cast %scan3A_16 : i32 to index
      %swap3A_20 = arith.constant 16 : index
      %swap3A_21 = tpu.vector_load %arg11[%swap3A_19, %swap3A_20] {strides = array<i32>} : memref<640x32xf32, #tpu.memory_space<vmem>>, vector<16xf32>,
      tpu.vector_store %arg11[%swap3A_19, %swap3A_20], %broadcast_in_dim3A_1 {strides = array<i32>} : memref<640x32xf32, #tpu.memory_space<vmem>>, vector<16xf32>,
    }
    %scan3A_6 = arith.constant 640 : i32
    %mul3A_7 = arith.constant 640 : i32
    %mul3A_8 = arith.muli %arg1, %mul3A_7 : i32
    "tpu.region"() ({
      %run_scoped3A = tpu.sem_alloc : memref<!tpu.dma_semaphore, #tpu.memory_space<semaphore_mem>>
      %dma_start3A = arith.constant 0 : i32
      %dma_start3A_16 = tpu.memref_slice %arg12[%mul3A_8, %dma_start3A] : memref<10240x32xf32, #tpu.memory_space<vmem_shared>> -> memref<640x32xf32, #tpu.memory_space<vmem_shared>>
      %dma_start3A_17 = arith.constant 0 : i32
      %dma_start3A_18 = tpu.memref_slice %arg12[%mul3A_8, %dma_start3A_17] : memref<10240x32xf32, #tpu.memory_space<vmem_shared>> -> memref<640x32xf32, #tpu.memory_space<vmem_shared>>
      tpu.enqueue_dma source(%arg11 : memref<640x32xf32, #tpu.memory_space<vmem>>) target(%dma_start3A_18 : memref<640x32xf32, #tpu.memory_space<vmem_shared>>) target_semaphore(%run_scoped3A : memref<!tpu.dma_semaphore, #tpu.memory_space<semaphore_mem>>)
      %dma_wait3A = arith.constant 0 : i32
      %dma_wait3A_19 = tpu.memref_slice %arg12[%mul3A_8, %dma_wait3A] : memref<10240x32xf32, #tpu.memory_space<vmem_shared>> -> memref<640x32xf32, #tpu.memory_space<vmem_shared>>
      %dma_wait3A_20 = arith.constant 0 : i32
      %dma_wait3A_21 = tpu.memref_slice %arg12[%mul3A_8, %dma_wait3A_20] : memref<10240x32xf32, #tpu.memory_space<vmem_shared>> -> memref<640x32xf32, #tpu.memory_space<vmem_shared>>
      tpu.wait_dma2 semaphore(%run_scoped3A : memref<!tpu.dma_semaphore, #tpu.memory_space<semaphore_mem>>) src(%arg11 : memref<640x32xf32, #tpu.memory_space<vmem>>) dst(%dma_wait3A_21 : memref<640x32xf32, #tpu.memory_space<vmem_shared>>)
      tpu.yield
    }) : () -> ()
    %barrier3A = arith.constant 0 : index
    tpu.barrier barrier_id(%barrier3A)
    %scan3A_9 = arith.constant 0 : i32
    %scan3A_10 = arith.constant 0 : i32
    %scan3A_11 = arith.constant 79 : i32
    %scan3A_12 = arith.addi %scan3A_10, %scan3A_11 : i32
    %scan3A_13 = arith.constant 1 : i32
    scf.for %scan3A_16 = %scan3A_10 to %scan3A_12 step %scan3A_13  : i32 {
      %mul3A_17 = arith.constant 32 : i32
      %mul3A_18 = arith.muli %scan3A_16, %mul3A_17 : i32
      %add3A_19 = arith.addi %mul3A_18, %add3A : i32
      %lt3A = arith.constant 2500 : i32
      %lt3A_20 = arith.cmpi slt, %add3A_19, %lt3A : i32
      %convert_element_type3A = arith.extui %lt3A_20 : i1 to i32
      %cond3A = arith.constant 0 : i32
      %cond3A_21 = arith.cmpi ne, %convert_element_type3A, %cond3A : i32
      scf.if %cond3A_21 {
        %mul3A_22 = arith.constant 128 : i32
        %mul3A_23 = arith.muli %add3A_19, %mul3A_22 : i32
        "tpu.region"() ({
          %run_scoped3A = tpu.sem_alloc : memref<!tpu.dma_semaphore, #tpu.memory_space<semaphore_mem>>
          %dma_start3A_34 = tpu.memref_slice %arg2[%mul3A_23] : memref<320000xi32, #tpu.memory_space<hbm>> -> memref<128xi32, #tpu.memory_space<hbm>>
          %dma_start3A_35 = tpu.memref_slice %arg2[%mul3A_23] : memref<320000xi32, #tpu.memory_space<hbm>> -> memref<128xi32, #tpu.memory_space<hbm>>
          tpu.enqueue_dma source(%dma_start3A_35 : memref<128xi32, #tpu.memory_space<hbm>>) target(%arg7 : memref<128xi32, #tpu.memory_space<vmem>>) target_semaphore(%run_scoped3A : memref<!tpu.dma_semaphore, #tpu.memory_space<semaphore_mem>>)
          %dma_wait3A_36 = tpu.memref_slice %arg2[%mul3A_23] : memref<320000xi32, #tpu.memory_space<hbm>> -> memref<128xi32, #tpu.memory_space<hbm>>
          %dma_wait3A_37 = tpu.memref_slice %arg2[%mul3A_23] : memref<320000xi32, #tpu.memory_space<hbm>> -> memref<128xi32, #tpu.memory_space<hbm>>
          tpu.wait_dma2 semaphore(%run_scoped3A : memref<!tpu.dma_semaphore, #tpu.memory_space<semaphore_mem>>) src(%dma_wait3A_37 : memref<128xi32, #tpu.memory_space<hbm>>) dst(%arg7 : memref<128xi32, #tpu.memory_space<vmem>>)
          tpu.yield
        }) : () -> ()
        "tpu.region"() ({
          %run_scoped3A = tpu.sem_alloc : memref<!tpu.dma_semaphore, #tpu.memory_space<semaphore_mem>>
          %dma_start3A_34 = tpu.memref_slice %arg3[%mul3A_23] : memref<320000xi32, #tpu.memory_space<hbm>> -> memref<128xi32, #tpu.memory_space<hbm>>
          %dma_start3A_35 = tpu.memref_slice %arg3[%mul3A_23] : memref<320000xi32, #tpu.memory_space<hbm>> -> memref<128xi32, #tpu.memory_space<hbm>>
          tpu.enqueue_dma source(%dma_start3A_35 : memref<128xi32, #tpu.memory_space<hbm>>) target(%arg8 : memref<128xi32, #tpu.memory_space<vmem>>) target_semaphore(%run_scoped3A : memref<!tpu.dma_semaphore, #tpu.memory_space<semaphore_mem>>)
          %dma_wait3A_36 = tpu.memref_slice %arg3[%mul3A_23] : memref<320000xi32, #tpu.memory_space<hbm>> -> memref<128xi32, #tpu.memory_space<hbm>>
          %dma_wait3A_37 = tpu.memref_slice %arg3[%mul3A_23] : memref<320000xi32, #tpu.memory_space<hbm>> -> memref<128xi32, #tpu.memory_space<hbm>>
          tpu.wait_dma2 semaphore(%run_scoped3A : memref<!tpu.dma_semaphore, #tpu.memory_space<semaphore_mem>>) src(%dma_wait3A_37 : memref<128xi32, #tpu.memory_space<hbm>>) dst(%arg8 : memref<128xi32, #tpu.memory_space<vmem>>)
          tpu.yield
        }) : () -> ()
        "tpu.region"() ({
          %run_scoped3A = tpu.sem_alloc : memref<!tpu.dma_semaphore, #tpu.memory_space<semaphore_mem>>
          %dma_start3A_34 = arith.constant 0 : i32
          %dma_start3A_35 = tpu.memref_slice %arg5[%mul3A_23, %dma_start3A_34] : memref<320000x32xf32, #tpu.memory_space<hbm>> -> memref<128x32xf32, #tpu.memory_space<hbm>>
          %dma_start3A_36 = arith.constant 0 : i32
          %dma_start3A_37 = tpu.memref_slice %arg5[%mul3A_23, %dma_start3A_36] : memref<320000x32xf32, #tpu.memory_space<hbm>> -> memref<128x32xf32, #tpu.memory_space<hbm>>
          tpu.enqueue_dma source(%dma_start3A_37 : memref<128x32xf32, #tpu.memory_space<hbm>>) target(%arg10 : memref<128x32xf32, #tpu.memory_space<vmem>>) target_semaphore(%run_scoped3A : memref<!tpu.dma_semaphore, #tpu.memory_space<semaphore_mem>>)
          %dma_wait3A_38 = arith.constant 0 : i32
          %dma_wait3A_39 = tpu.memref_slice %arg5[%mul3A_23, %dma_wait3A_38] : memref<320000x32xf32, #tpu.memory_space<hbm>> -> memref<128x32xf32, #tpu.memory_space<hbm>>
          %dma_wait3A_40 = arith.constant 0 : i32
          %dma_wait3A_41 = tpu.memref_slice %arg5[%mul3A_23, %dma_wait3A_40] : memref<320000x32xf32, #tpu.memory_space<hbm>> -> memref<128x32xf32, #tpu.memory_space<hbm>>
          tpu.wait_dma2 semaphore(%run_scoped3A : memref<!tpu.dma_semaphore, #tpu.memory_space<semaphore_mem>>) src(%dma_wait3A_41 : memref<128x32xf32, #tpu.memory_space<hbm>>) dst(%arg10 : memref<128x32xf32, #tpu.memory_space<vmem>>)
          tpu.yield
        }) : () -> ()
        %dma_start3A = arith.constant 0 : i32
        %dma_start3A_24 = arith.constant 0 : i32
        %dma_start3A_25 = tpu.memref_slice %arg4[%dma_start3A, %dma_start3A_24] : memref<10240x16xi32, #tpu.memory_space<hbm>> -> memref<10240x16xi32, #tpu.memory_space<hbm>>
        tpu.enqueue_indirect_dma source(%dma_start3A_25 : memref<10240x16xi32, #tpu.memory_space<hbm>>) target(%arg9 : memref<128x16xi32, #tpu.memory_space<vmem>>) offsets(%arg7 : memref<128xi32, #tpu.memory_space<vmem>>) semaphore(%arg13 : memref<!tpu.dma_semaphore, #tpu.memory_space<semaphore_mem>>)
        %dma_wait3A = arith.constant 0 : i32
        %dma_wait3A_26 = arith.constant 0 : i32
        %dma_wait3A_27 = tpu.memref_slice %arg4[%dma_wait3A, %dma_wait3A_26] : memref<10240x16xi32, #tpu.memory_space<hbm>> -> memref<10240x16xi32, #tpu.memory_space<hbm>>
        tpu.wait_indirect_dma semaphore(%arg13 : memref<!tpu.dma_semaphore, #tpu.memory_space<semaphore_mem>>) src(%dma_wait3A_27 : memref<10240x16xi32, #tpu.memory_space<hbm>>) dst(%arg9 : memref<128x16xi32, #tpu.memory_space<vmem>>)
        %scan3A_28 = arith.constant 0 : i32
        %scan3A_29 = arith.constant 0 : i32
        %scan3A_30 = arith.constant 128 : i32
        %scan3A_31 = arith.addi %scan3A_29, %scan3A_30 : i32
        %scan3A_32 = arith.constant 1 : i32
        scf.for %scan3A_34 = %scan3A_29 to %scan3A_31 step %scan3A_32  : i32 {
          %get3A = arith.index_cast %scan3A_34 : i32 to index
          %get3A_35 = arith.constant 0 : index
          %get3A_36 = tpu.vector_load %arg9[%get3A, %get3A_35] {strides = array<i32>} : memref<128x16xi32, #tpu.memory_space<vmem>>, vector<16xi32>,
          %bitcast3A = vector.bitcast %get3A_36 : vector<16xi32> to vector<32xbf16>
          %unpack3A = tpu.unpack_subelements %bitcast3A, 0 {pack_format = #tpu.pack_format<interleaved>} : vector<32xbf16> -> vector<16xf32>
          %unpack3A_37 = tpu.unpack_subelements %bitcast3A, 1 {pack_format = #tpu.pack_format<interleaved>} : vector<32xbf16> -> vector<16xf32>
          %get3A_38 = arith.index_cast %scan3A_34 : i32 to index
          %get3A_39 = arith.constant 0 : index
          %get3A_40 = tpu.vector_load %arg10[%get3A_38, %get3A_39] {strides = array<i32>} : memref<128x32xf32, #tpu.memory_space<vmem>>, vector<16xf32>,
          %get3A_41 = arith.index_cast %scan3A_34 : i32 to index
          %get3A_42 = arith.constant 16 : index
          %get3A_43 = tpu.vector_load %arg10[%get3A_41, %get3A_42] {strides = array<i32>} : memref<128x32xf32, #tpu.memory_space<vmem>>, vector<16xf32>,
          %add3A_44 = arith.addf %unpack3A, %get3A_40 : vector<16xf32>
          %max3A = arith.constant 0.000000e+00 : f32
          %max3A_45 = vector.broadcast %max3A : f32 to vector<16xf32>
          %max3A_46 = arith.maximumf %add3A_44, %max3A_45 : vector<16xf32>
          %swap3A = arith.index_cast %scan3A_34 : i32 to index
          %swap3A_47 = arith.constant 0 : index
          %swap3A_48 = tpu.vector_load %arg10[%swap3A, %swap3A_47] {strides = array<i32>} : memref<128x32xf32, #tpu.memory_space<vmem>>, vector<16xf32>,
          tpu.vector_store %arg10[%swap3A, %swap3A_47], %max3A_46 {strides = array<i32>} : memref<128x32xf32, #tpu.memory_space<vmem>>, vector<16xf32>,
          %add3A_49 = arith.addf %unpack3A_37, %get3A_43 : vector<16xf32>
          %max3A_50 = arith.constant 0.000000e+00 : f32
          %max3A_51 = vector.broadcast %max3A_50 : f32 to vector<16xf32>
          %max3A_52 = arith.maximumf %add3A_49, %max3A_51 : vector<16xf32>
          %swap3A_53 = arith.index_cast %scan3A_34 : i32 to index
          %swap3A_54 = arith.constant 16 : index
          %swap3A_55 = tpu.vector_load %arg10[%swap3A_53, %swap3A_54] {strides = array<i32>} : memref<128x32xf32, #tpu.memory_space<vmem>>, vector<16xf32>,
          tpu.vector_store %arg10[%swap3A_53, %swap3A_54], %max3A_52 {strides = array<i32>} : memref<128x32xf32, #tpu.memory_space<vmem>>, vector<16xf32>,
        }
        %scan3A_33 = arith.constant 128 : i32
        "tpu.region"() ({
          %run_scoped3A = tpu.sem_alloc : memref<!tpu.dma_semaphore, #tpu.memory_space<semaphore_mem>>
          %dma_start3A_34 = arith.constant 0 : i32
          %dma_start3A_35 = arith.constant 0 : i32
          %dma_start3A_36 = tpu.memref_slice %arg12[%dma_start3A_34, %dma_start3A_35] : memref<10240x32xf32, #tpu.memory_space<vmem_shared>> -> memref<10240x32xf32, #tpu.memory_space<vmem_shared>>
          tpu.enqueue_indirect_dma source(%arg10 : memref<128x32xf32, #tpu.memory_space<vmem>>) target(%dma_start3A_36 : memref<10240x32xf32, #tpu.memory_space<vmem_shared>>) offsets(%arg8 : memref<128xi32, #tpu.memory_space<vmem>>) semaphore(%run_scoped3A : memref<!tpu.dma_semaphore, #tpu.memory_space<semaphore_mem>>) {add = true}
          %dma_wait3A_37 = arith.constant 0 : i32
          %dma_wait3A_38 = arith.constant 0 : i32
          %dma_wait3A_39 = tpu.memref_slice %arg12[%dma_wait3A_37, %dma_wait3A_38] : memref<10240x32xf32, #tpu.memory_space<vmem_shared>> -> memref<10240x32xf32, #tpu.memory_space<vmem_shared>>
          tpu.wait_indirect_dma semaphore(%run_scoped3A : memref<!tpu.dma_semaphore, #tpu.memory_space<semaphore_mem>>) src(%arg10 : memref<128x32xf32, #tpu.memory_space<vmem>>) dst(%dma_wait3A_39 : memref<10240x32xf32, #tpu.memory_space<vmem_shared>>)
          tpu.yield
        }) : () -> ()
      } else {
      }
    }
    %scan3A_14 = arith.constant 79 : i32
    %barrier3A_15 = arith.constant 0 : index
    tpu.barrier barrier_id(%barrier3A_15)
    "tpu.region"() ({
      %run_scoped3A = tpu.sem_alloc : memref<!tpu.dma_semaphore, #tpu.memory_space<semaphore_mem>>
      %dma_start3A = arith.constant 0 : i32
      %dma_start3A_16 = tpu.memref_slice %arg12[%mul3A_8, %dma_start3A] : memref<10240x32xf32, #tpu.memory_space<vmem_shared>> -> memref<640x32xf32, #tpu.memory_space<vmem_shared>>
      %dma_start3A_17 = arith.constant 0 : i32
      %dma_start3A_18 = tpu.memref_slice %arg12[%mul3A_8, %dma_start3A_17] : memref<10240x32xf32, #tpu.memory_space<vmem_shared>> -> memref<640x32xf32, #tpu.memory_space<vmem_shared>>
      tpu.enqueue_dma source(%dma_start3A_18 : memref<640x32xf32, #tpu.memory_space<vmem_shared>>) target(%arg11 : memref<640x32xf32, #tpu.memory_space<vmem>>) target_semaphore(%run_scoped3A : memref<!tpu.dma_semaphore, #tpu.memory_space<semaphore_mem>>)
      %dma_wait3A = arith.constant 0 : i32
      %dma_wait3A_19 = tpu.memref_slice %arg12[%mul3A_8, %dma_wait3A] : memref<10240x32xf32, #tpu.memory_space<vmem_shared>> -> memref<640x32xf32, #tpu.memory_space<vmem_shared>>
      %dma_wait3A_20 = arith.constant 0 : i32
      %dma_wait3A_21 = tpu.memref_slice %arg12[%mul3A_8, %dma_wait3A_20] : memref<10240x32xf32, #tpu.memory_space<vmem_shared>> -> memref<640x32xf32, #tpu.memory_space<vmem_shared>>
      tpu.wait_dma2 semaphore(%run_scoped3A : memref<!tpu.dma_semaphore, #tpu.memory_space<semaphore_mem>>) src(%dma_wait3A_21 : memref<640x32xf32, #tpu.memory_space<vmem_shared>>) dst(%arg11 : memref<640x32xf32, #tpu.memory_space<vmem>>)
      tpu.yield
    }) : () -> ()
    "tpu.region"() ({
      %run_scoped3A = tpu.sem_alloc : memref<!tpu.dma_semaphore, #tpu.memory_space<semaphore_mem>>
      %dma_start3A = arith.constant 0 : i32
      %dma_start3A_16 = tpu.memref_slice %arg6[%arg0, %mul3A_8, %dma_start3A] : memref<2x10240x32xf32, #tpu.memory_space<hbm>> -> memref<1x640x32xf32, #tpu.memory_space<hbm>>
      %dma_start3A_17 = tpu.memref_squeeze %dma_start3A_16 : memref<1x640x32xf32, #tpu.memory_space<hbm>> -> memref<640x32xf32, #tpu.memory_space<hbm>>
      %dma_start3A_18 = arith.constant 0 : i32
      %dma_start3A_19 = tpu.memref_slice %arg6[%arg0, %mul3A_8, %dma_start3A_18] : memref<2x10240x32xf32, #tpu.memory_space<hbm>> -> memref<1x640x32xf32, #tpu.memory_space<hbm>>
      %dma_start3A_20 = tpu.memref_squeeze %dma_start3A_19 : memref<1x640x32xf32, #tpu.memory_space<hbm>> -> memref<640x32xf32, #tpu.memory_space<hbm>>
      tpu.enqueue_dma source(%arg11 : memref<640x32xf32, #tpu.memory_space<vmem>>) target(%dma_start3A_20 : memref<640x32xf32, #tpu.memory_space<hbm>>) target_semaphore(%run_scoped3A : memref<!tpu.dma_semaphore, #tpu.memory_space<semaphore_mem>>)
      %dma_wait3A = arith.constant 0 : i32
      %dma_wait3A_21 = tpu.memref_slice %arg6[%arg0, %mul3A_8, %dma_wait3A] : memref<2x10240x32xf32, #tpu.memory_space<hbm>> -> memref<1x640x32xf32, #tpu.memory_space<hbm>>
      %dma_wait3A_22 = tpu.memref_squeeze %dma_wait3A_21 : memref<1x640x32xf32, #tpu.memory_space<hbm>> -> memref<640x32xf32, #tpu.memory_space<hbm>>
      %dma_wait3A_23 = arith.constant 0 : i32
      %dma_wait3A_24 = tpu.memref_slice %arg6[%arg0, %mul3A_8, %dma_wait3A_23] : memref<2x10240x32xf32, #tpu.memory_space<hbm>> -> memref<1x640x32xf32, #tpu.memory_space<hbm>>
      %dma_wait3A_25 = tpu.memref_squeeze %dma_wait3A_24 : memref<1x640x32xf32, #tpu.memory_space<hbm>> -> memref<640x32xf32, #tpu.memory_space<hbm>>
      tpu.wait_dma2 semaphore(%run_scoped3A : memref<!tpu.dma_semaphore, #tpu.memory_space<semaphore_mem>>) src(%arg11 : memref<640x32xf32, #tpu.memory_space<vmem>>) dst(%dma_wait3A_25 : memref<640x32xf32, #tpu.memory_space<hbm>>)
      tpu.yield
    }) : () -> ()
    return
  }
}

module attributes {stable_mosaic.version = 14 : i64} {
  func.func @_eproj_body(%arg0: i32, %arg1: memref<10000x16xf32, #tpu.memory_space<vmem>>, %arg2: memref<16x32xf32, #tpu.memory_space<vmem>>, %arg3: memref<1x32xf32, #tpu.memory_space<vmem>>, %arg4: memref<10000x32xf32, #tpu.memory_space<vmem>>) attributes {dimension_semantics = [#tpu.dimension_semantics<arbitrary>], iteration_bounds = array<i64: 32>, scalar_prefetch = 0 : i64, scratch_operands = 0 : i64, tpu.core_type = #tpu.core_type<tc>, window_params = [{transform_indices = @transform_0, window_bounds = array<i64: 10000, 16>}, {pipeline_mode = #tpu.pipeline_mode<synchronous>, transform_indices = @transform_1, window_bounds = array<i64: 16, 32>}, {pipeline_mode = #tpu.pipeline_mode<synchronous>, transform_indices = @transform_2, window_bounds = array<i64: 1, 32>}, {transform_indices = @transform_3, window_bounds = array<i64: 10000, 32>}]} {
    %get3A = arith.constant 0 : index
    %get3A_0 = arith.constant 0 : index
    %get3A_1 = vector.load %arg1[%get3A, %get3A_0] : memref<10000x16xf32, #tpu.memory_space<vmem>>, vector<10000x16xf32>
    %get3A_2 = arith.constant 0 : index
    %get3A_3 = arith.constant 0 : index
    %get3A_4 = vector.load %arg2[%get3A_2, %get3A_3] : memref<16x32xf32, #tpu.memory_space<vmem>>, vector<16x32xf32>
    %dot_general3A = arith.constant dense<0.000000e+00> : vector<10000x32xf32>
    %dot_general3A_5 = tpu.matmul %get3A_1, %get3A_4, %dot_general3A {dimension_numbers = #tpu.dot_dimension_numbers<[1], [0], [0], [1], [0, 0, 1, 1], [], []>, transpose_lhs_hint = false} : vector<10000x16xf32>, vector<16x32xf32>, vector<10000x32xf32> -> vector<10000x32xf32>
    %get3A_6 = arith.constant 0 : index
    %get3A_7 = arith.constant 0 : index
    %get3A_8 = vector.load %arg3[%get3A_6, %get3A_7] : memref<1x32xf32, #tpu.memory_space<vmem>>, vector<1x32xf32>
    %add3A = vector.broadcast %get3A_8 : vector<1x32xf32> to vector<10000x32xf32>
    %add3A_9 = arith.addf %dot_general3A_5, %add3A : vector<10000x32xf32>
    %swap3A = arith.constant 0 : index
    %swap3A_10 = arith.constant 0 : index
    %swap3A_11 = vector.load %arg4[%swap3A, %swap3A_10] : memref<10000x32xf32, #tpu.memory_space<vmem>>, vector<10000x32xf32>
    tpu.vector_store %arg4[%swap3A, %swap3A_10], %add3A_9 {strides = array<i32>} : memref<10000x32xf32, #tpu.memory_space<vmem>>, vector<10000x32xf32>,
    return
  }
  func.func @transform_0(%arg0: i32) -> (i32, i32) {
    %c0_i32 = arith.constant 0 : i32
    %c0_i32_0 = arith.constant 0 : i32
    return %arg0, %c0_i32 : i32, i32
  }
  func.func @transform_1(%arg0: i32) -> (i32, i32) {
    %c0_i32 = arith.constant 0 : i32
    %c0_i32_0 = arith.constant 0 : i32
    %c0_i32_1 = arith.constant 0 : i32
    return %c0_i32, %c0_i32_0 : i32, i32
  }
  func.func @transform_2(%arg0: i32) -> (i32, i32) {
    %c0_i32 = arith.constant 0 : i32
    %c0_i32_0 = arith.constant 0 : i32
    %c0_i32_1 = arith.constant 0 : i32
    return %c0_i32, %c0_i32_0 : i32, i32
  }
  func.func @transform_3(%arg0: i32) -> (i32, i32) {
    %c0_i32 = arith.constant 0 : i32
    %c0_i32_0 = arith.constant 0 : i32
    return %arg0, %c0_i32 : i32, i32
  }
}

module attributes {stable_mosaic.version = 14 : i64} {
  func.func @_nproj_body(%arg0: memref<10000x128xf32, #tpu.memory_space<vmem>>, %arg1: memref<128x32xf32, #tpu.memory_space<vmem>>, %arg2: memref<10000x32xbf16, #tpu.memory_space<vmem>>) attributes {dimension_semantics = [], scalar_prefetch = 0 : i64, scratch_operands = 0 : i64, tpu.core_type = #tpu.core_type<tc>} {
    %get3A = arith.constant 0 : index
    %get3A_0 = arith.constant 0 : index
    %get3A_1 = vector.load %arg0[%get3A, %get3A_0] : memref<10000x128xf32, #tpu.memory_space<vmem>>, vector<10000x128xf32>
    %get3A_2 = arith.constant 0 : index
    %get3A_3 = arith.constant 0 : index
    %get3A_4 = vector.load %arg1[%get3A_2, %get3A_3] : memref<128x32xf32, #tpu.memory_space<vmem>>, vector<128x32xf32>
    %dot_general3A = arith.constant dense<0.000000e+00> : vector<10000x32xf32>
    %dot_general3A_5 = tpu.matmul %get3A_1, %get3A_4, %dot_general3A {dimension_numbers = #tpu.dot_dimension_numbers<[1], [0], [0], [1], [0, 0, 1, 1], [], []>, transpose_lhs_hint = false} : vector<10000x128xf32>, vector<128x32xf32>, vector<10000x32xf32> -> vector<10000x32xf32>
    %convert_element_type3A = arith.truncf %dot_general3A_5 : vector<10000x32xf32> to vector<10000x32xbf16>
    %swap3A = arith.constant 0 : index
    %swap3A_6 = arith.constant 0 : index
    %swap3A_7 = vector.load %arg2[%swap3A, %swap3A_6] : memref<10000x32xbf16, #tpu.memory_space<vmem>>, vector<10000x32xbf16>
    tpu.vector_store %arg2[%swap3A, %swap3A_6], %convert_element_type3A {strides = array<i32>} : memref<10000x32xbf16, #tpu.memory_space<vmem>>, vector<10000x32xbf16>,
    return
  }
}

module attributes {stable_mosaic.version = 14 : i64} {
  func.func @_post_body(%arg0: memref<2x10240x32xf32, #tpu.memory_space<vmem>>, %arg1: memref<10240x1xi32, #tpu.memory_space<vmem>>, %arg2: memref<32x32xf32, #tpu.memory_space<vmem>>, %arg3: memref<1x32xf32, #tpu.memory_space<vmem>>, %arg4: memref<32x16xf32, #tpu.memory_space<vmem>>, %arg5: memref<1x16xf32, #tpu.memory_space<vmem>>, %arg6: memref<16x16xf32, #tpu.memory_space<vmem>>, %arg7: memref<1x16xf32, #tpu.memory_space<vmem>>, %arg8: memref<16x8xf32, #tpu.memory_space<vmem>>, %arg9: memref<1x8xf32, #tpu.memory_space<vmem>>, %arg10: memref<64x8xf32, #tpu.memory_space<vmem>>) attributes {dimension_semantics = [], scalar_prefetch = 0 : i64, scratch_operands = 0 : i64, tpu.core_type = #tpu.core_type<tc>} {
    %get3A = arith.constant 0 : index
    %get3A_0 = arith.constant 0 : index
    %get3A_1 = arith.constant 0 : index
    %get3A_2 = vector.load %arg0[%get3A, %get3A_0, %get3A_1] : memref<2x10240x32xf32, #tpu.memory_space<vmem>>, vector<1x10240x32xf32>
    %get3A_3 = vector.shape_cast %get3A_2 : vector<1x10240x32xf32> to vector<10240x32xf32>
    %get3A_4 = arith.constant 1 : index
    %get3A_5 = arith.constant 0 : index
    %get3A_6 = arith.constant 0 : index
    %get3A_7 = vector.load %arg0[%get3A_4, %get3A_5, %get3A_6] : memref<2x10240x32xf32, #tpu.memory_space<vmem>>, vector<1x10240x32xf32>
    %get3A_8 = vector.shape_cast %get3A_7 : vector<1x10240x32xf32> to vector<10240x32xf32>
    %add3A = arith.addf %get3A_3, %get3A_8 : vector<10240x32xf32>
    %get3A_9 = arith.constant 0 : index
    %get3A_10 = arith.constant 0 : index
    %get3A_11 = vector.load %arg2[%get3A_9, %get3A_10] : memref<32x32xf32, #tpu.memory_space<vmem>>, vector<32x32xf32>
    %dot_general3A = arith.constant dense<0.000000e+00> : vector<10240x32xf32>
    %dot_general3A_12 = tpu.matmul %add3A, %get3A_11, %dot_general3A {dimension_numbers = #tpu.dot_dimension_numbers<[1], [0], [0], [1], [0, 0, 1, 1], [], []>, transpose_lhs_hint = false} : vector<10240x32xf32>, vector<32x32xf32>, vector<10240x32xf32> -> vector<10240x32xf32>
    %get3A_13 = arith.constant 0 : index
    %get3A_14 = arith.constant 0 : index
    %get3A_15 = vector.load %arg3[%get3A_13, %get3A_14] : memref<1x32xf32, #tpu.memory_space<vmem>>, vector<1x32xf32>
    %add3A_16 = vector.broadcast %get3A_15 : vector<1x32xf32> to vector<10240x32xf32>
    %add3A_17 = arith.addf %dot_general3A_12, %add3A_16 : vector<10240x32xf32>
    %max3A = arith.constant 0.000000e+00 : f32
    %max3A_18 = vector.broadcast %max3A : f32 to vector<10240x32xf32>
    %max3A_19 = arith.maximumf %add3A_17, %max3A_18 : vector<10240x32xf32>
    %get3A_20 = arith.constant 0 : index
    %get3A_21 = arith.constant 0 : index
    %get3A_22 = vector.load %arg4[%get3A_20, %get3A_21] : memref<32x16xf32, #tpu.memory_space<vmem>>, vector<32x16xf32>
    %dot_general3A_23 = arith.constant dense<0.000000e+00> : vector<10240x16xf32>
    %dot_general3A_24 = tpu.matmul %max3A_19, %get3A_22, %dot_general3A_23 {dimension_numbers = #tpu.dot_dimension_numbers<[1], [0], [0], [1], [0, 0, 1, 1], [], []>, transpose_lhs_hint = false} : vector<10240x32xf32>, vector<32x16xf32>, vector<10240x16xf32> -> vector<10240x16xf32>
    %get3A_25 = arith.constant 0 : index
    %get3A_26 = arith.constant 0 : index
    %get3A_27 = vector.load %arg5[%get3A_25, %get3A_26] : memref<1x16xf32, #tpu.memory_space<vmem>>, vector<1x16xf32>
    %add3A_28 = vector.broadcast %get3A_27 : vector<1x16xf32> to vector<10240x16xf32>
    %add3A_29 = arith.addf %dot_general3A_24, %add3A_28 : vector<10240x16xf32>
    %max3A_30 = arith.constant 0.000000e+00 : f32
    %max3A_31 = vector.broadcast %max3A_30 : f32 to vector<10240x16xf32>
    %max3A_32 = arith.maximumf %add3A_29, %max3A_31 : vector<10240x16xf32>
    %get3A_33 = arith.constant 0 : index
    %get3A_34 = arith.constant 0 : index
    %get3A_35 = vector.load %arg1[%get3A_33, %get3A_34] : memref<10240x1xi32, #tpu.memory_space<vmem>>, vector<10240x1xi32>
    %iota3A = tpu.iota {dimensions = array<i32: 1>} : vector<10240x64xi32>
    %eq3A = vector.broadcast %get3A_35 : vector<10240x1xi32> to vector<10240x64xi32>
    %eq3A_36 = arith.cmpi eq, %eq3A, %iota3A : vector<10240x64xi32>
    %convert_element_type3A = arith.extui %eq3A_36 : vector<10240x64xi1> to vector<10240x64xi32>
    %convert_element_type3A_37 = arith.sitofp %convert_element_type3A : vector<10240x64xi32> to vector<10240x64xf32>
    %dot_general3A_38 = arith.constant dense<0.000000e+00> : vector<64x16xf32>
    %dot_general3A_39 = tpu.matmul %convert_element_type3A_37, %max3A_32, %dot_general3A_38 {dimension_numbers = #tpu.dot_dimension_numbers<[0], [0], [1], [1], [0, 1, 1, 1], [], []>, transpose_lhs_hint = false} : vector<10240x64xf32>, vector<10240x16xf32>, vector<64x16xf32> -> vector<64x16xf32>
    %get3A_40 = arith.constant 0 : index
    %get3A_41 = arith.constant 0 : index
    %get3A_42 = vector.load %arg6[%get3A_40, %get3A_41] : memref<16x16xf32, #tpu.memory_space<vmem>>, vector<16x16xf32>
    %dot_general3A_43 = arith.constant dense<0.000000e+00> : vector<64x16xf32>
    %dot_general3A_44 = tpu.matmul %dot_general3A_39, %get3A_42, %dot_general3A_43 {dimension_numbers = #tpu.dot_dimension_numbers<[1], [0], [0], [1], [0, 0, 1, 1], [], []>, transpose_lhs_hint = false} : vector<64x16xf32>, vector<16x16xf32>, vector<64x16xf32> -> vector<64x16xf32>
    %get3A_45 = arith.constant 0 : index
    %get3A_46 = arith.constant 0 : index
    %get3A_47 = vector.load %arg7[%get3A_45, %get3A_46] : memref<1x16xf32, #tpu.memory_space<vmem>>, vector<1x16xf32>
    %add3A_48 = vector.broadcast %get3A_47 : vector<1x16xf32> to vector<64x16xf32>
    %add3A_49 = arith.addf %dot_general3A_44, %add3A_48 : vector<64x16xf32>
    %max3A_50 = arith.constant 0.000000e+00 : f32
    %max3A_51 = vector.broadcast %max3A_50 : f32 to vector<64x16xf32>
    %max3A_52 = arith.maximumf %add3A_49, %max3A_51 : vector<64x16xf32>
    %get3A_53 = arith.constant 0 : index
    %get3A_54 = arith.constant 0 : index
    %get3A_55 = vector.load %arg8[%get3A_53, %get3A_54] : memref<16x8xf32, #tpu.memory_space<vmem>>, vector<16x8xf32>
    %dot_general3A_56 = arith.constant dense<0.000000e+00> : vector<64x8xf32>
    %dot_general3A_57 = tpu.matmul %max3A_52, %get3A_55, %dot_general3A_56 {dimension_numbers = #tpu.dot_dimension_numbers<[1], [0], [0], [1], [0, 0, 1, 1], [], []>, transpose_lhs_hint = false} : vector<64x16xf32>, vector<16x8xf32>, vector<64x8xf32> -> vector<64x8xf32>
    %get3A_58 = arith.constant 0 : index
    %get3A_59 = arith.constant 0 : index
    %get3A_60 = vector.load %arg9[%get3A_58, %get3A_59] : memref<1x8xf32, #tpu.memory_space<vmem>>, vector<1x8xf32>
    %add3A_61 = vector.broadcast %get3A_60 : vector<1x8xf32> to vector<64x8xf32>
    %add3A_62 = arith.addf %dot_general3A_57, %add3A_61 : vector<64x8xf32>
    %swap3A = arith.constant 0 : index
    %swap3A_63 = arith.constant 0 : index
    %swap3A_64 = vector.load %arg10[%swap3A, %swap3A_63] : memref<64x8xf32, #tpu.memory_space<vmem>>, vector<64x8xf32>
    tpu.vector_store %arg10[%swap3A, %swap3A_63], %add3A_62 {strides = array<i32>} : memref<64x8xf32, #tpu.memory_space<vmem>>, vector<64x8xf32>,
    return
  }
}

</mosaic_0001>

<sc_bundles>
// kernel: kernel.6.cloned.1.call-start
scs
__scs_entry_jumppad:
0x0: {  	(pc) =	sbr.rel $0x88, $3  }
0x1: {  	(tag) =	ssettag $0x0;
	lr =	simm.s32 $0x1  }
0x2: {  	[smem:$0x3F93] =	sst lr;
	_ =	strace $0xD0000000  }
0x3: {  	_ = 	snop  }
0x4: {  	_ = 	snop  }
0x5: {  	_ = 	snop  }
0x6: {  	_ = 	snop  }
0x7: {  	_ = 	snop  }
__scs_overlays_trampoline_lowered:
0x8: {  	[smem:$0x3FA2] =	sst s0  }
0x9: {  	[smem:$0x3FA3] =	sst s1  }
0xa: {  	[smem:$0x3FA4] =	sst s2  }
0xb: {  	[smem:$0x3FA5] =	sst s3  }
0xc: {  	[smem:$0x3FA6] =	sst s4  }
0xd: {  	[smem:$0x3FA7] =	sst s5  }
0xe: {  	[smem:$0x3FA8] =	sst s6  }
0xf: {  	[smem:$0x3FA9] =	sst s7  }
0x10: {  	[smem:$0x3FAA] =	sst s8  }
0x11: {  	[smem:$0x3FAB] =	sst s9;
	s0 =	simm.s32 @!p0 $0x0  }
0x12: {  	s1 =	sld [smem:$0x3F91];
	s0 =	simm.s32 @p0 $0x1  }
0x13: {  	[smem:$0x3FAC] =	sst s0;
	s0 =	simm.s32 @!p1 $0x0  }
0x14: {  	s2 =	sld [smem:$0x3F90];
	s0 =	simm.s32 @p1 $0x1  }
0x15: {  	[smem:$0x3FAD] =	sst s0;
	s0 =	simm.s32 @!p2 $0x0  }
0x16: {  	s3 =	sld [smem:$0x3FDB];
	s0 =	simm.s32 @p2 $0x1  }
0x17: {  	s4 =	simm.s32 $0x1BF5;
	[smem:$0x3FAF] =	sst s0  }
0x18: {  	s0 =	sld [smem:$0x3F92];
	_ =	swait.ge [sflag:s4], $0x0  }
0x19: {  	s7 =	sld [smem:$0x3F93]  }
0x1a: {  	s8 =	sadd.s32 $0xFFFFE003, lr  }
0x1b: {  	s9 =	sadd.s32 $0xFFFFFEF7, lr;
	s5 =	simm.s32 $0xFFFFFFFF;
	p2 =	slt.u32 s8, $0xFFFFF086  }
0x1c: {  	p1 =	slt.u32 s9, $0xF7A;
	s5 =	simm.s32 @!p2 $0x0  }
0x1d: {  	s5 =	simm.s32 @p1 $0x1;
	p0 =	seq.s32 s7, s2  }
0x1e: {  	s7 =	smul.u32 @!p0 $0xF7A, s2;
	p2 =	seq.s32 @!p0 s5, $0x0  }
0x1f: {  	s9 =	smul.u32 $0xF7A, s1;
	s8 =	simm.s32 @!p0 $0x1BF5;
	p2 =	por !p2, p0  }
0x20: {  	[sflag:s8] =	ssyncset.s32 @!p0 $0xFFFFF086;
	s6 =	sadd.s32 @!p0 s3, s7;
	s7 =	simm.s32 @!p0 $0x108  }
0x21: {  	s3 =	sadd.s32 s3, s9;
	s6 =	sadd.s32 @!p0 $0x88, s6;
	s7 =	simm.s32 @p2 $0x1082  }
0x22: {  	[simem:s7], [sflag:s8] =	dma.local @!p0 [hbm:s6], $0xF7A  }
0x23: {  	s9 =	sor.u32 $0xD0000000, s2;
	s6 =	simm.s32 $0x108;
	_ =	swait.ge @!p0 [sflag:s8], $0x0  }
0x24: {  	s3 =	sadd.s32 $0x88, s3;
	s6 =	simm.s32 @!p1 $0x1082;
	[sflag:s4] =	ssyncset.s32 $0xFFFFF086  }
0x25: {  	[simem:s6], [sflag:s4] =	dma.local [hbm:s3], $0xF7A  }
0x26: {  	[smem:$0x3F93] =	sst s1;
	(tag) =	ssettag s2;
	_ =	strace s9  }
0x27: {  	s1 =	sld [smem:$0x3FA3]  }
0x28: {  	s2 =	sld [smem:$0x3FA4]  }
0x29: {  	s4 =	sld [smem:$0x3FA6]  }
0x2a: {  	p0 =	seq.s32 s5, $0x0;
	s5 =	sld [smem:$0x3FA7]  }
0x2b: {  	s6 =	sld [smem:$0x3FA8]  }
0x2c: {  	s7 =	sld [smem:$0x3FA9]  }
0x2d: {  	s3 =	simm.s32 $0x108;
	s8 =	sld [smem:$0x3FAA]  }
0x2e: {  	s3 =	simm.s32 @!p0 $0x1082;
	s9 =	sld [smem:$0x3FAB]  }
0x2f: {  	lr =	sadd.s32 s0, s3;
	s0 =	sld [smem:$0x3FA2]  }
0x30: {  	s3 =	sld [smem:$0x3FA5]  }
0x31: {  	[smem:$0x3FAE] =	sst s10  }
0x32: {  	s10 =	sld [smem:$0x3FAC];
	_ =	sdelay $0x3  }
0x33: {  	p0 =	seq.s32 s10, $0x1;
	s10 =	sld [smem:$0x3FAE];
	_ =	sdelay $0x3  }
0x34: {  	[smem:$0x3FAE] =	sst s10  }
0x35: {  	s10 =	sld [smem:$0x3FAD];
	_ =	sdelay $0x3  }
0x36: {  	p1 =	seq.s32 s10, $0x1;
	s10 =	sld [smem:$0x3FAE];
	_ =	sdelay $0x3  }
0x37: {  	[smem:$0x3FAE] =	sst s10  }
0x38: {  	s10 =	sld [smem:$0x3FAF]  }
0x39: {  	_ = 	snop;
	(pc) =	sbr.ind lr, $3  }
0x3a: {  	_ = 	snop  }
0x3b: {  	_ = 	snop  }
0x3c: {  	p2 =	seq.s32 s10, $0x1;
	s10 =	sld [smem:$0x3FAE]  }
0x3d: {  	_ =	shalt  }
0x3e: {  	_ =	shalt  }
0x3f: {  	_ =	shalt  }
0x40: {  	_ =	shalt  }
0x41: {  	_ =	shalt  }
0x42: {  	_ =	shalt  }
0x43: {  	_ =	shalt  }
0x44: {  	_ =	shalt  }
0x45: {  	_ =	shalt  }
0x46: {  	_ =	shalt  }
0x47: {  	_ =	shalt  }
0x48: {  	_ =	shalt  }
0x49: {  	_ =	shalt  }
0x4a: {  	_ =	shalt  }
0x4b: {  	_ =	shalt  }
0x4c: {  	_ =	shalt  }
0x4d: {  	_ =	shalt  }
0x4e: {  	_ =	shalt  }
0x4f: {  	_ =	shalt  }
0x50: {  	_ =	shalt  }
0x51: {  	_ =	shalt  }
0x52: {  	_ =	shalt  }
0x53: {  	_ =	shalt  }
0x54: {  	_ =	shalt  }
0x55: {  	_ =	shalt  }
0x56: {  	_ =	shalt  }
0x57: {  	_ =	shalt  }
0x58: {  	_ =	shalt  }
0x59: {  	_ =	shalt  }
0x5a: {  	_ =	shalt  }
0x5b: {  	_ =	shalt  }
0x5c: {  	_ =	shalt  }
0x5d: {  	_ =	shalt  }
0x5e: {  	_ =	shalt  }
0x5f: {  	_ =	shalt  }
0x60: {  	_ =	shalt  }
0x61: {  	_ =	shalt  }
0x62: {  	_ =	shalt  }
0x63: {  	_ =	shalt  }
0x64: {  	_ =	shalt  }
0x65: {  	_ =	shalt  }
0x66: {  	_ =	shalt  }
0x67: {  	_ =	shalt  }
0x68: {  	_ =	shalt  }
0x69: {  	_ =	shalt  }
0x6a: {  	_ =	shalt  }
0x6b: {  	_ =	shalt  }
0x6c: {  	_ =	shalt  }
0x6d: {  	_ =	shalt  }
0x6e: {  	_ =	shalt  }
0x6f: {  	_ =	shalt  }
0x70: {  	_ =	shalt  }
0x71: {  	_ =	shalt  }
0x72: {  	_ =	shalt  }
0x73: {  	_ =	shalt  }
0x74: {  	_ =	shalt  }
0x75: {  	_ =	shalt  }
0x76: {  	_ =	shalt  }
0x77: {  	_ =	shalt  }
0x78: {  	_ =	shalt  }
0x79: {  	_ =	shalt  }
0x7a: {  	_ =	shalt  }
0x7b: {  	_ =	shalt  }
0x7c: {  	_ =	shalt  }
0x7d: {  	_ =	shalt  }
0x7e: {  	_ =	shalt  }
0x7f: {  	_ =	shalt  }
0x80: {  	_ =	shalt  }
0x81: {  	_ =	shalt  }
0x82: {  	_ =	shalt  }
0x83: {  	_ =	shalt  }
0x84: {  	_ =	shalt  }
0x85: {  	_ =	shalt  }
0x86: {  	_ =	shalt  }
0x87: {  	_ =	shalt  }
.Lfunc_end0:
.L_simem_size_0:
called_computation_lowered:
.L_overlay_start_0:
0x88: {  	s2 =	sld [smem:$0x3FD9]  }
0x89: {  	s3 =	sld [smem:$0x3FFE];
	_ =	sdelay $0x1  }
0x8a: {  	s1 =	srdreg.scid  }
0x8b: {  	s0 =	sand.u32 $0x1, s1  }
0x8c: {  	s16 =	sshll.u32 s0, $0xA;
	s2 =	sadd.s32 s3, s2  }
0x8d: {  	s2 =	sadd.s32 s2, s16  }
0x8e: {  	[smem:$0x3FBA] =	sst s2  }
0x8f: {  	_ = 	snop  }
0x90: {  	(tm) =	ssettm $0x1  }
0x91: {  	s17 =	sld [smem:$0x3FFB];
	_ =	sdelay $0x3  }
0x92: {  	_ =	strace s17  }
0x93: {  	s2 =	sld [smem:$0x3FFC];
	_ =	sdelay $0x3  }
0x94: {  	_ =	strace s2  }
0x95: {  	s2 =	sld [smem:$0x3FFD];
	_ =	sdelay $0x3  }
0x96: {  	_ =	strace s2  }
0x97: {  	_ =	strace $0x8FFFFFFF  }
0x98: {  	s18 =	sld [smem:$0x3FDB];
	_ =	sdelay $0x1  }
0x99: {  	s19 =	simm.s32 $_scs_section_size  }
0x9a: {  	s4 =	simm.s32 $_size__tile_overlayer_lowered;
	s5 =	simm.s32 $_tile_overlayer_lowered  }
0x9b: {  	s22 =	simm.s32 $0x1BFF;
	s21 =	sshll.u32 s5, $0x1;
	s2 =	sadd.s32 s19, s18  }
0x9c: {  	s6 =	simm.s32 $0x0;
	s20 =	sshll.u32 s4, $0x1;
	s4 =	sadd.s32 s21, s2  }
0x9d: {  	[timem:s6], [sflag:s22] =	dma.local [hbm:s4], s20  }
0x9e: {  	_ =	swait.ge [sflag:s22], s20  }
0x9f: {  	s3 =	ssub.s32 $0x0, s20;
	[sflag:s22] =	ssyncset.done $0x0  }
0xa0: {  	[sflag:s22] =	ssyncadd.s32 s3;
	_ =	sdelay $0x1  }
0xa1: {  	s23 =	simm.s32 $0x1B8B  }
0xa2: {  	_ =	swait.ge [sflag:s23], $0x1  }
0xa3: {  	[sflag:s23] =	ssyncset.done $0x0  }
0xa4: {  	s25 =	simm.s32 $0x1B8E;
	s24 =	sld [smem:$0x3FFE];
	[sflag:s23] =	ssyncadd.s32 $0xFFFFFFFF  }
0xa5: {  	s26 =	simm.s32 $execute0_lowered;
	[smem:$0x3FD2] =	sst s25  }
0xa6: {  	s4 =	sshll.u32 s26, $0x1;
	_ =	strace $0x80000046;
	[dreg:$0x1] =	wrdreg $0xFFFFFFFF  }
0xa7: {  	s28 =	simm.s32 $_size_execute0_lowered;
	s2 =	sadd.s32 s2, s4;
	[dreg:$0x0] =	wrdreg $0x0  }
0xa8: {  	s4 =	sshll.u32 s28, $0x1;
	[dreg:$0x2] =	wrdreg s2  }
0xa9: {  	[dreg:$0x3] =	wrdreg s4  }
0xaa: {  	[dreg:$0x4] =	wrdreg $0xC0  }
0xab: {  	_ =	task [dreg:s6], $0x5FFFF  }
0xac: {  	[dreg:$0x1] =	wrdreg $0xFFFFFFFF  }
0xad: {  	[dreg:$0x0] =	wrdreg $0x60  }
0xae: {  	[dreg:$0x2] =	wrdreg s24  }
0xaf: {  	[dreg:$0x3] =	wrdreg $0x69000  }
0xb0: {  	[dreg:$0x4] =	wrdreg $0x9  }
0xb1: {  	_ =	task.clear_ibuf [dreg:s6], $0x5FFFF;
	_ =	strace $0x90000046  }
0xb2: {  	s29 =	simm.s32 $0x9;
	_ =	strace $0x80000048  }
0xb3: {  	_ =	swait.ge [sflag:s29], $0x1  }
0xb4: {  	[sflag:s29] =	ssyncadd.s32 $0xFFFFFFFF  }
0xb5: {  	_ =	strace $0x90000048  }
0xb6: {  	_ =	sfence  }
0xb7: {  	s30 =	sld [smem:$0x0];
	_ =	sdelay $0x2  }
0xb8: {  	s31 =	sshll.u32 s1, $0xD;
	s1 =	sshrl.u32 s1, $0x2  }
0xb9: {  	s3 =	sand.u32 $0x4000, s31;
	s1 =	sadd.s32 s1, s30  }
0xba: {  	s0 =	sor.u32 s3, s0;
	s1 =	sshll.u32 s1, $0x11  }
0xbb: {  	s0 =	sor.u32 s1, s0  }
0xbc: {  	s0 =	sadd.s32 $0x8F2B, s0  }
0xbd: {  	[sflag:s0] =	ssyncadd.remote.s32 $0x1  }
0xbe: {  	_ =	sfence.sel $0xFFFF  }
0xbf: {  	[dreg:$0x0] =	wrdreg $0xFFFFFFFF;
	(pc) =	sbr.abs _section_cstart, $3  }
0xc0: {  	[dreg:$0x1] =	wrdreg $0xFFFFFFFF  }
0xc1: {  	_ =	task.clear_ibuf [dreg:s6], $0x2FFFF;
	_ =	strace $0x9FFFFFFF  }
0xc2: {  	(tm) =	ssettm $0x7FFFFFFF  }
0xc3: {  	_ =	shalt  }
tec
execute0_lowered:
.L_overlay_start_1:
0x0: {  	(tag) =	ssettag $0x1  }
0x1: {  	s9 =	rddreg [dreg:$0x0]  }
0x2: {  	s2 =	rddreg [dreg:$0x1]  }
0x3: {  	s0 =	rddreg [dreg:$0x2];
	s4 =	srdreg.scid  }
0x4: {  	s1 =	stileid.u32;
	s3 =	simm.s32 $0x0;
	s14 =	simm.s32 $0x2  }
0x5: {  	s15 =	simm.s32 $0x3;
	s16 =	simm.s32 $0x80;
	s17 =	simm.s32 $0x900  }
0x6: {  	s18 =	simm.s32 $0x100;
	s19 =	simm.s32 $0x1;
	s20 =	simm.s32 $0x0  }
0x7: {  	s4 =	sand.u32 $0x1, s4;
	s10 =	smul.u32 $0x5000, s1;
	[smem:$0x7FF] =	sst s3  }
0x8: {  	s5 =	sadd.s32 $0xBA00, s9;
	s6 =	sadd.s32 $0x1C00, s9;
	s7 =	smul.u32 $0x50000, s4  }
.Ltmp0:
0x9: {  	_ =	strace $0x80000047;
	s11 =	ssub.s32 $0x2, s4;
	(pc) =	sbr.rel .LBB2_1-.Ltmp0, $4  }
0xa: {  	s13 =	sshrl.u32 s11, $0x1;
	s8 =	sadd.s32 s10, s7;
	s7 =	sadd.s32 $0x14E000, s9  }
0xb: {  	s13 =	ssub.s32 s11, s13;
	s10 =	sadd.s32 s10, s2;
	s12 =	sshrl.u32 s8, $0x3  }
0xc: {  	s8 =	sadd.s32 $0x15800, s9;
	s12 =	sadd.s32 s12, s9;
	s9 =	sshll.u32 s1, $0x1  }
0xd: {  	v0 =	vimm.f32 $0.0e+00;
	s11 =	sadd.s32 $0x153000, s12;
	s12 =	smax.u32 s13, $0x1;
	s13 =	simm.s32 $0x1900  }
.LBB2_9:
0xe: {  	[bflag:$0x0] =	sbarrier.arrive $0xFFFF  }
0xf: {  	[tilespmem:s13], [sflag:$0x2] =	stream.linear.gather [spmem:s10], $0x5000, $0x38;
	[tilespmem:$0xB900] =	vst v63  }
0x10: {  	s20 =	sadd.s32 $0x1, s20;
	_ =	swait.ge [sflag:s14], $0x5000  }
0x11: {  	p0 =	sne.s32 s20, s12;
	[sflag:s14] =	ssyncset.done $0x0  }
.Ltmp1:
0x12: {  	[sflag:s14] =	ssyncadd.s32 $0xFFFFB000;
	(pc) =	sbr.rel @!p0 .LBB2_10-.Ltmp1, $4  }
0x13: {  	[hbm4b:s11+s3] =	stream.linear.scatter [tilespmem:s13], [sflag:$0x2], $0x5000, $0x38;
	[tilespmem:$0xB900] =	vst v63  }
0x14: {  	_ =	swait.ge [sflag:s14], $0x5000  }
0x15: {  	[sflag:s14] =	ssyncset.done $0x0  }
0x16: {  	[sflag:s14] =	ssyncadd.s32 $0xFFFFB000  }
.LBB2_1:
0x17: {  	s21 =	simm.s32 $0x80;
	s22 =	simm.s32 $0x0  }
.LBB2_2:
0x18: {  	p0 =	sne.s32 s21, $0x13F80;
	[tilespmem:s22+$0x1900] =	vst v0;
	s23 =	smov.u32 s21;
	s21 =	sadd.s32 $0x80, s21  }
.Ltmp2:
0x19: {  	[tilespmem:s22+$0x1910] =	vst v0;
	(pc) =	sbr.rel @p0 .LBB2_2-.Ltmp2, $2  }
0x1a: {  	_ =	sdelay $0x2  }
0x1b: {  	s22 =	sshra.s32 s23, $0x2  }
0x1c: {  	[tilespmem:s22+$0x1900] =	vst v0  }
0x1d: {  	[tilespmem:s22+$0x1910] =	vst v0  }
0x1e: {  	[spmem:s10] =	stream.linear.scatter [tilespmem:s13], [sflag:$0x2], $0x5000, $0x38;
	[tilespmem:$0xB900] =	vst v63  }
.Ltmp3:
0x1f: {  	_ =	swait.ge [sflag:s14], $0x5000;
	(pc) =	sbr.rel .LBB2_4-.Ltmp3, $4  }
0x20: {  	[sflag:s14] =	ssyncset.done $0x0  }
0x21: {  	[sflag:s14] =	ssyncadd.s32 $0xFFFFB000  }
0x22: {  	[bflag:$0x0] =	sbarrier.arrive $0xFFFF  }
0x23: {  	s21 =	simm.s32 $0x0  }
.LBB2_8:
0x24: {  	s21 =	sadd.s32 $0x1, s21  }
0x25: {  	p0 =	sne.s32 s21, $0x4F  }
.Ltmp4:
0x26: {  	_ = 	snop;
	(pc) =	sbr.rel @!p0 .LBB2_9-.Ltmp4, $1  }
0x27: {  	_ =	sdelay $0x3  }
.LBB2_4:
0x28: {  	s22 =	sshll.u32 s21, $0x5  }
0x29: {  	s22 =	sor.u32 s9, s22  }
0x2a: {  	p0 =	sgt.u32 s22, $0x9C3  }
.Ltmp5:
0x2b: {  	_ = 	snop;
	(pc) =	sbr.rel @p0 .LBB2_8-.Ltmp5, $1  }
0x2c: {  	_ =	sdelay $0x3  }
0x2d: {  	s22 =	sor.u32 s4, s22  }
0x2e: {  	s23 =	sshll.u32 s22, $0x4  }
0x2f: {  	s25 =	simm.s32 $0x0;
	s24 =	sadd.s32 s5, s23  }
0x30: {  	[tilespmem:s25], [sflag:$0x3] =	stream.linear.gather [hbm4b:s24+s25], $0x80, $0x38;
	[tilespmem:$0xB900] =	vst v63  }
0x31: {  	_ =	swait.ge [sflag:s15], $0x80  }
0x32: {  	[sflag:s15] =	ssyncset.done $0x0  }
0x33: {  	s23 =	sadd.s32 s6, s23;
	[sflag:s15] =	ssyncadd.s32 $0xFFFFFF80  }
0x34: {  	[tilespmem:s16], [sflag:$0x3] =	stream.linear.gather [hbm4b:s23+s25], $0x80, $0x38;
	[tilespmem:$0xB900] =	vst v63  }
0x35: {  	_ =	swait.ge [sflag:s15], $0x80  }
0x36: {  	s22 =	sshll.u32 s22, $0x9;
	[sflag:s15] =	ssyncset.done $0x0  }
0x37: {  	s22 =	sadd.s32 s8, s22;
	[sflag:s15] =	ssyncadd.s32 $0xFFFFFF80  }
0x38: {  	[tilespmem:s17], [sflag:$0x3] =	stream.linear.gather [hbm4b:s22+s25], $0x1000, $0x38;
	[tilespmem:$0xB900] =	vst v63  }
0x39: {  	_ =	swait.ge [sflag:s15], $0x1000  }
0x3a: {  	[sflag:s15] =	ssyncset.done $0x0  }
0x3b: {  	[sflag:s15] =	ssyncadd.s32 $0xFFFFF000  }
0x3c: {  	[tilespmem:s18], [sflag:$0x1] =	stream.indirect.gather [hbm4b:s7+s16], $0x10, s25, s16, $0xb8;
	[tilespmem:$0xB900] =	vst v63  }
0x3d: {  	_ =	swait.ge [sflag:s19], $0x800  }
0x3e: {  	[sflag:s19] =	ssyncset.done $0x0  }
0x3f: {  	s23 =	simm.s32 $0x910;
	[sflag:s19] =	ssyncadd.s32 $0xFFFFF800  }
0x40: {  	s24 =	simm.s32 $0x40;
	s22 =	simm.s32 $0x910;
	s25 =	simm.s32 $0x0;
	v1 =	vld [tilespmem:s23+$0xFFFFFFF0]  }
.LBB2_6:
0x41: {  	p0 =	sne.s32 s24, $0x1FC0;
	v2 =	vld [tilespmem:s25+$0x100]  }
0x42: {  	v3 =	vld [tilespmem:s23+$0x0];
	_ =	sdelay $0x3  }
0x43: {  	v4 =	vunpack.i.u.bf16.f32 v2;
	v2 =	vunpack.i.l.bf16.f32 v2  }
.Ltmp6:
0x44: {  	v1 =	vadd.f32 v1, v2;
	v2 =	vadd.f32 v3, v4;
	(pc) =	sbr.rel @p0 .LBB2_6-.Ltmp6, $4  }
0x45: {  	_ = 	snop  }
0x46: {  	v1 =	vmax.f32 v1, $0.0e+00;
	v2 =	vmax.f32 v2, $0.0e+00  }
0x47: {  	s23 =	sadd.s32 $0x20, s23;
	[tilespmem:s22+$0xFFFFFFF0] =	vst v1  }
0x48: {  	s25 =	sshra.s32 s24, $0x2;
	s24 =	sadd.s32 $0x40, s24;
	v1 =	vld [tilespmem:s23+$0xFFFFFFF0];
	[tilespmem:s22+$0x0] =	vst v2;
	s22 =	smov.u32 s23  }
0x49: {  	v2 =	vld [tilespmem:s25+$0x100];
	_ =	sdelay $0x1  }
0x4a: {  	v3 =	vld [tilespmem:s23+$0x0];
	_ =	sdelay $0x2  }
0x4b: {  	v4 =	vunpack.i.l.bf16.f32 v2  }
0x4c: {  	v2 =	vunpack.i.u.bf16.f32 v2;
	v1 =	vadd.f32 v1, v4  }
0x4d: {  	v2 =	vadd.f32 v3, v2  }
0x4e: {  	v1 =	vmax.f32 v1, $0.0e+00  }
0x4f: {  	v2 =	vmax.f32 v2, $0.0e+00;
	[tilespmem:s22+$0xFFFFFFF0] =	vst v1  }
.Ltmp7:
0x50: {  	[tilespmem:s22+$0x0] =	vst v2;
	(pc) =	sbr.rel .LBB2_8-.Ltmp7, $4  }
0x51: {  	[spmem:s2] =	stream.indirect.scatter.add.f32 [tilespmem:s17], [sflag:$0x2], $0x20, s16, s16, $0xb8;
	[tilespmem:$0xB900] =	vst v63  }
0x52: {  	_ =	swait.ge [sflag:s14], $0x1000  }
0x53: {  	[sflag:s14] =	ssyncset.done $0x0  }
0x54: {  	[sflag:s14] =	ssyncadd.s32 $0xFFFFF000  }
.LBB2_10:
0x55: {  	_ =	sfence.sel $0x180000  }
0x56: {  	[bflag:$0x0] =	sbarrier.arrive $0xFFFF  }
0x57: {  	p0 =	sne.s32 s1, $0x0;
	_ =	strace $0x90000047  }
0x58: {  	s0 =	sadd.s32 @!p0 $0x100000, s0;
	[bflag:$0x2] =	sbarrier.arrive $0xFFFF  }
0x59: {  	[sflag:s0] =	ssyncadd.tile.s32 @!p0 $0x1;
	_ =	shalt  }
.Lfunc_end2:
_tile_overlayer_lowered:
.L_overlay_start_2:
0x5a: {  	(tag) =	ssettag $0x2  }
0x5b: {  	s0 =	rddreg [dreg:$0x0];
	s2 =	stileid.u32  }
0x5c: {  	s1 =	rddreg [dreg:$0x1];
	p0 =	sne.s32 s2, $0x0  }
0x5d: {  	s3 =	rddreg [dreg:$0x2];
	[bflag:$0x3] =	sbarrier.arrive $0xFFFF;
	s2 =	simm.s32 @!p0 $0x1C02  }
0x5e: {  	[timem:s3], [sflag:s2] =	dma.local @!p0 [hbm:s0], s1  }
0x5f: {  	s0 =	simm.s32 @!p0 $0x2  }
0x60: {  	_ =	swait.ge @!p0 [sflag:s0], s1  }
0x61: {  	s1 =	ssub.s32 @!p0 $0x0, s1;
	[sflag:s0] =	ssyncset.done @!p0 $0x0  }
0x62: {  	[sflag:s0] =	ssyncadd.s32 @!p0 s1  }
0x63: {  	[bflag:$0x3] =	sbarrier.arrive $0xFFFF  }
0x64: {  	_ =	shalt  }

</sc_bundles>
